<compile_context>
chip_gen: v7x
topology: tpu7x:2x2x1
jax: 0.10.2.dev20260603
libtpu: 0.0.44.dev20260713+nightly
codegen_flags: <defaults>
</compile_context>

<pallas_src>
import jax
import jax.numpy as jnp
from jax.experimental import pallas as pl


def _probe(x_ref, out_ref):
    out_ref[...] = jnp.sum(x_ref[...].astype(jnp.float32), axis=1,
                           keepdims=True).astype(jnp.int32)


@jax.jit
def kernel(hvs, am):
    q = jnp.pad(hvs.astype(jnp.bfloat16), ((0, 0), (0, 112)))
    out = pl.pallas_call(
        _probe,
        grid=(1,),
        in_specs=[pl.BlockSpec((16, 10112), lambda i: (0, 0))],
        out_specs=pl.BlockSpec((16, 1), lambda i: (0, 0)),
        out_shape=jax.ShapeDtypeStruct((16, 1), jnp.int32),
    )(q)
    return jnp.tile(out.reshape(16), 256)

# --- scband reference (transcript-rebuilt; emitter-appended) ---
"""Pipeline reference for scband-hdmodel-9105330668031 (READ-ONLY COPY).

The authoritative reference and input builder live on the scoring server;
editing this copy changes nothing except your own understanding.
"""

import jax, jax.numpy as jnp
import numpy as np


def setup_inputs(seed: int = 0) -> dict:
    key = jax.random.key(seed)
    k1, k2 = jax.random.split(key)
    hvs = jax.random.normal(k1, (4096, 10000), dtype=jnp.float32)
    am = jax.random.normal(k2, (100, 10000), dtype=jnp.float32)
    return {"hvs": hvs, "am": am}


def _pairwise_cosine_similarity(x, y, eps=1e-8):
    # matches torchmetrics.functional.pairwise_cosine_similarity for x != y
    xn = x / jnp.maximum(jnp.linalg.norm(x, axis=1, keepdims=True), eps)
    yn = y / jnp.maximum(jnp.linalg.norm(y, axis=1, keepdims=True), eps)
    return xn @ yn.T


def reference(hvs, am):
    # HDModel.predict with sim_metric='cosine', no binarize/bipolarize
    am_f = am.astype(jnp.float32)
    sims = _pairwise_cosine_similarity(hvs, am_f)
    preds = jnp.argmax(sims, axis=1)
    return preds

if __name__ == "__main__":
    import jax
    _d = setup_inputs()
    print(jax.jit(kernel)(*tuple(_d.values())))

</pallas_src>

<mosaic_0001>
module attributes {stable_mosaic.version = 14 : i64} {
  func.func @_probe(%arg0: i32, %arg1: memref<16x10112xbf16, #tpu.memory_space<vmem>>, %arg2: memref<16x1xi32, #tpu.memory_space<vmem>>) attributes {dimension_semantics = [#tpu.dimension_semantics<arbitrary>], iteration_bounds = array<i64: 1>, scalar_prefetch = 0 : i64, scratch_operands = 0 : i64, tpu.core_type = #tpu.core_type<tc>, window_params = [{transform_indices = @transform_0, window_bounds = array<i64: 16, 10112>}, {pipeline_mode = #tpu.pipeline_mode<synchronous>, transform_indices = @transform_1, window_bounds = array<i64: 16, 1>}]} {
    %get3A = arith.constant 0 : index
    %get3A_0 = arith.constant 0 : index
    %get3A_1 = vector.load %arg1[%get3A, %get3A_0] : memref<16x10112xbf16, #tpu.memory_space<vmem>>, vector<16x10112xbf16>
    %convert_element_type3A = arith.extf %get3A_1 : vector<16x10112xbf16> to vector<16x10112xf32>
    %reduce_sum3A = arith.constant dense<0.000000e+00> : vector<16xf32>
    %reduce_sum3A_2 = vector.multi_reduction <add>, %convert_element_type3A, %reduce_sum3A [1] : vector<16x10112xf32> to vector<16xf32>
    %broadcast_in_dim3A = vector.shape_cast %reduce_sum3A_2 : vector<16xf32> to vector<16x1xf32>
    %convert_element_type3A_3 = arith.fptosi %broadcast_in_dim3A : vector<16x1xf32> to vector<16x1xi32>
    %swap3A = arith.constant 0 : index
    %swap3A_4 = arith.constant 0 : index
    %swap3A_5 = vector.load %arg2[%swap3A, %swap3A_4] : memref<16x1xi32, #tpu.memory_space<vmem>>, vector<16x1xi32>
    tpu.vector_store %arg2[%swap3A, %swap3A_4], %convert_element_type3A_3 {strides = array<i32>} : memref<16x1xi32, #tpu.memory_space<vmem>>, vector<16x1xi32>,
    return
  }
  func.func @transform_0(%arg0: i32) -> (i32, i32) {
    %c0_i32 = arith.constant 0 : i32
    %c0_i32_0 = arith.constant 0 : i32
    %c0_i32_1 = arith.constant 0 : i32
    return %c0_i32, %c0_i32_0 : i32, i32
  }
  func.func @transform_1(%arg0: i32) -> (i32, i32) {
    %c0_i32 = arith.constant 0 : i32
    %c0_i32_0 = arith.constant 0 : i32
    %c0_i32_1 = arith.constant 0 : i32
    return %c0_i32, %c0_i32_0 : i32, i32
  }
}

</mosaic_0001>

<sc_bundles>
// kernel: sparse-core-data-format-call.cloned.1.call-start
scs
called_computation_lowered:
.L_overlay_start_0:
0x0: {  	s1 =	sld [smem:$0x3FD9]  }
0x1: {  	s2 =	sld [smem:$0x3FFE];
	_ =	sdelay $0x1  }
0x2: {  	s3 =	srdreg.scid  }
0x3: {  	s0 =	sand.u32 $0x1, s3  }
0x4: {  	s17 =	sshll.u32 s0, $0xA;
	s1 =	sadd.s32 s2, s1  }
0x5: {  	s1 =	sadd.s32 s1, s17  }
0x6: {  	[smem:$0x3FC7] =	sst s1  }
0x7: {  	_ = 	snop  }
0x8: {  	(tm) =	ssettm $0x1  }
0x9: {  	s18 =	sld [smem:$0x3FFB];
	_ =	sdelay $0x3  }
0xa: {  	_ =	strace s18  }
0xb: {  	s1 =	sld [smem:$0x3FFC];
	_ =	sdelay $0x3  }
0xc: {  	_ =	strace s1  }
0xd: {  	s1 =	sld [smem:$0x3FFD];
	_ =	sdelay $0x3  }
0xe: {  	_ =	strace s1  }
0xf: {  	_ =	strace $0x8FFFFFFF  }
0x10: {  	s19 =	sld [smem:$0x3FDB];
	_ =	sdelay $0x1  }
0x11: {  	s20 =	simm.s32 $_scs_section_size  }
0x12: {  	s4 =	simm.s32 $_size__tile_overlayer_lowered;
	s5 =	simm.s32 $_tile_overlayer_lowered  }
0x13: {  	s23 =	simm.s32 $0x1BFF;
	s22 =	sshll.u32 s5, $0x1;
	s1 =	sadd.s32 s20, s19  }
0x14: {  	s6 =	simm.s32 $0x0;
	s21 =	sshll.u32 s4, $0x1;
	s4 =	sadd.s32 s22, s1  }
0x15: {  	[timem:s6], [sflag:s23] =	dma.local [hbm:s4], s21  }
0x16: {  	_ =	swait.ge [sflag:s23], s21  }
0x17: {  	s2 =	ssub.s32 $0x0, s21;
	[sflag:s23] =	ssyncset.done $0x0  }
0x18: {  	[sflag:s23] =	ssyncadd.s32 s2;
	_ =	sdelay $0x1  }
0x19: {  	s24 =	simm.s32 $0x1B8B  }
0x1a: {  	_ =	swait.ge [sflag:s24], $0x1  }
0x1b: {  	[sflag:s24] =	ssyncset.done $0x0  }
0x1c: {  	s26 =	simm.s32 $0x1B8E;
	s25 =	sld [smem:$0x3FFE];
	[sflag:s24] =	ssyncadd.s32 $0xFFFFFFFF  }
0x1d: {  	s27 =	simm.s32 $execute0_lowered;
	[smem:$0x3FD2] =	sst s26  }
0x1e: {  	s4 =	sshll.u32 s27, $0x1;
	_ =	strace $0x80000046;
	[dreg:$0x1] =	wrdreg $0xFFFFFFFF  }
0x1f: {  	s28 =	simm.s32 $_size_execute0_lowered;
	s1 =	sadd.s32 s1, s4;
	[dreg:$0x0] =	wrdreg $0x0  }
0x20: {  	s4 =	sshll.u32 s28, $0x1;
	[dreg:$0x2] =	wrdreg s1  }
0x21: {  	[dreg:$0x3] =	wrdreg s4  }
0x22: {  	[dreg:$0x4] =	wrdreg $0xC0  }
0x23: {  	_ =	task [dreg:s6], $0x5FFFF  }
0x24: {  	[dreg:$0x1] =	wrdreg $0xFFFFFFFF  }
0x25: {  	[dreg:$0x0] =	wrdreg $0x60  }
0x26: {  	[dreg:$0x2] =	wrdreg s25  }
0x27: {  	[dreg:$0x3] =	wrdreg $0x9  }
0x28: {  	_ =	task.clear_ibuf [dreg:s6], $0x4FFFF;
	_ =	strace $0x90000046  }
0x29: {  	s29 =	simm.s32 $0x9;
	_ =	strace $0x80000048  }
0x2a: {  	_ =	swait.ge [sflag:s29], $0x1  }
0x2b: {  	[sflag:s29] =	ssyncadd.s32 $0xFFFFFFFF  }
0x2c: {  	_ =	strace $0x90000048  }
0x2d: {  	_ =	sfence  }
0x2e: {  	s30 =	sld [smem:$0x0];
	_ =	sdelay $0x2  }
0x2f: {  	s31 =	sshll.u32 s3, $0xD;
	s3 =	sshrl.u32 s3, $0x2  }
0x30: {  	s2 =	sand.u32 $0x4000, s31;
	s1 =	sadd.s32 s3, s30  }
0x31: {  	s0 =	sor.u32 s2, s0;
	s1 =	sshll.u32 s1, $0x11  }
0x32: {  	s0 =	sor.u32 s1, s0  }
0x33: {  	s0 =	sadd.s32 $0x8F2B, s0  }
0x34: {  	[sflag:s0] =	ssyncadd.remote.s32 $0x1  }
0x35: {  	_ =	sfence.sel $0xFFFF  }
0x36: {  	[dreg:$0x0] =	wrdreg $0xFFFFFFFF;
	(pc) =	sbr.abs _section_cstart, $3  }
0x37: {  	[dreg:$0x1] =	wrdreg $0xFFFFFFFF  }
0x38: {  	_ =	task.clear_ibuf [dreg:s6], $0x2FFFF;
	_ =	strace $0x9FFFFFFF  }
0x39: {  	(tm) =	ssettm $0x7FFFFFFF  }
tec
execute0_lowered:
.L_overlay_start_1:
0x0: {  	(tag) =	ssettag $0x1  }
0x1: {  	s0 =	stileid.u32  }
0x2: {  	s1 =	srdreg.scid;
	s2 =	rddreg [dreg:$0x0]  }
0x3: {  	s5 =	simm.s32 $0x1;
	s4 =	sshll.u32 s0, $0x7;
	s1 =	sshll.u32 s1, $0xB  }
0x4: {  	s9 =	simm.s32 $0x2;
	s15 =	simm.s32 $0x0;
	s3 =	sor.u32 s4, s1  }
0x5: {  	s11 =	simm.s32 $0x9E00;
	s14 =	simm.s32 $0x0;
	s3 =	sand.u32 $0xF00, s3  }
0x6: {  	s13 =	simm.s32 $0x0;
	s4 =	sand.u32 $0x80, s4;
	s6 =	ssub.s32 $0x1000, s3  }
0x7: {  	s1 =	rddreg [dreg:$0x1];
	s8 =	ssub.s32 $0x2700, s4;
	s7 =	sand.u32 $0xF00, s6  }
0x8: {  	s8 =	sshrl.u32 s8, $0x8;
	p0 =	sne.s32 s7, $0x0;
	s7 =	simm.s32 $0x1  }
.Ltmp0:
0x9: {  	s6 =	sshrl.u32 s6, $0xC;
	s7 =	simm.s32 @!p0 $0x0;
	(pc) =	sbr.rel .LBB1_1-.Ltmp0, $4  }
0xa: {  	_ =	strace $0x80000047;
	s8 =	sadd.s32 $0x1, s8;
	s6 =	sadd.s32 s7, s6  }
0xb: {  	[sflag:s5] =	ssyncpa.u1 $0x0;
	s12 =	smov.u32 s4;
	s6 =	smul.u32 s8, s6  }
0xc: {  	[sflag:s9] =	ssyncpa.u1 $0x0;
	p0 =	por $0x0, $0x0;
	s7 =	sshll.u32 s3, $0x3  }
0xd: {  	s8 =	sadd.s32 $0x271000, s2;
	s9 =	sand.u32 $0x800, s7;
	s10 =	sadd.s32 $0x1, s6  }
.LBB1_4:
0xe: {  	[tilespmem:s19+$0x1 ss:$0x81] =	vst.msk $0xffff, v11;
	v8 =	vcombine.high v8, v10;
	v6 =	vperm.xlane.i2c.b16 v6;
	v50 =	vld [tilespmem:s18+$0x230];
	s15 =	sshrl.u32 s15, $0x3  }
0xf: {  	[tilespmem:s19+$0x810 ss:$0x81] =	vst.msk $0xffff, v12;
	v51 =	vcombine.low v7, v9;
	v3 =	vperm.xlane.i2c.b16 v3;
	s17 =	sshll.u32 s14, $0x3;
	v52 =	vld [tilespmem:s18+$0x240];
	s15 =	smul.u32 $0x13C00, s15  }
0x10: {  	v53 =	vcombine.high v7, v9;
	s29 =	sshll.u32 s14, $0x1;
	v54 =	vld [tilespmem:s18+$0x250];
	v0 =	vcombine.high v0, v1;
	s17 =	sand.u32 $0xFFFFFC00, s17;
	[tilespmem:s19+$0x811 ss:$0x81] =	vst.msk $0xffff, v8  }
0x11: {  	v5 =	vperm.xlane.i2c.b16 v5;
	v2 =	vperm.xlane.i2c.b16 v2;
	s14 =	sand.u32 $0xFE, s29;
	[tilespmem:s19+$0x1020 ss:$0x81] =	vst.msk $0xffff, v51;
	s15 =	sadd.s32 s17, s15  }
0x12: {  	v4 =	vperm.xlane.i2c.b16 v4;
	v55 =	vcombine.low v6, v3;
	[tilespmem:s16+$0x3061 ss:$0x81] =	vst.msk $0xffff, v0;
	s14 =	sor.u32 s14, s15  }
0x13: {  	v3 =	vcombine.high v6, v3;
	v56 =	vcombine.low v5, v2;
	[tilespmem:s19+$0x1021 ss:$0x81] =	vst.msk $0xffff, v53;
	s15 =	smulhi.u32 $0xCF6474A9, s14  }
0x14: {  	v2 =	vcombine.high v5, v2;
	[tilespmem:s19+$0x1830 ss:$0x81] =	vst.msk $0xffff, v55;
	v57 =	vperm.xlane.i2c.b16 v50  }
0x15: {  	[tilespmem:s19+$0x2040 ss:$0x81] =	vst.msk $0xffff, v56;
	v58 =	vperm.xlane.i2c.b16 v52;
	v60 =	vperm.xlane.i2c.b16 v54;
	s15 =	sshrl.u32 s15, $0xD  }
0x16: {  	[tilespmem:s19+$0x1831 ss:$0x81] =	vst.msk $0xffff, v3;
	v59 =	vcombine.low v4, v57;
	s30 =	smul.u32 $0x2780, s15  }
0x17: {  	[tilespmem:s19+$0x2041 ss:$0x81] =	vst.msk $0xffff, v2;
	v62 =	vcombine.low v58, v60  }
0x18: {  	v61 =	vcombine.high v4, v57;
	s15 =	sand.u32 $0xFFF, s15;
	[tilespmem:s19+$0x2850 ss:$0x81] =	vst.msk $0xffff, v59;
	s14 =	ssub.s32 s14, s30  }
0x19: {  	v63 =	vcombine.high v58, v60;
	s15 =	smul.u32 $0x278, s15;
	[tilespmem:s19+$0x3060 ss:$0x81] =	vst.msk $0xffff, v62;
	s31 =	sshrl.u32 s14, $0x4;
	s14 =	sshll.u32 s14, $0x11  }
0x1a: {  	[tilespmem:s19+$0x2851 ss:$0x81] =	vst.msk $0xffff, v61;
	s16 =	sadd.s32 s8, s31;
	s14 =	sand.u32 $0x1C0000, s14  }
0x1b: {  	[tilespmem:s19+$0x3061 ss:$0x81] =	vst.msk $0xffff, v63;
	s15 =	sadd.s32 s15, s16;
	s14 =	sor.u32 $0x200, s14  }
0x1c: {  	[hbm4b:s15+s14] =	stream.strided.scatter [tilespmem:s21], [sflag:$0x2], $0x4000, s11, s14, $0x20;
	[tilespmem:$0x10100] =	vst v63  }
.LBB1_5:
0x1d: {  	s16 =	sadd.s32 $0x100, s12  }
0x1e: {  	p2 =	sgt.s32 s16, $0x270F  }
0x1f: {  	s16 =	smov.u32 @p2 s4;
	p2 =	sne.s32 s13, s10  }
.Ltmp1:
0x20: {  	p1 =	slt.u32 s13, $0x2;
	(pc) =	sbr.rel @!p2 .LBB1_6-.Ltmp1, $4  }
0x21: {  	s15 =	simm.s32 @!p1 $0x2  }
0x22: {  	s17 =	sadd.s32 $0x1, s13;
	s14 =	smov.u32 s12;
	_ =	swait.ge @!p1 [sflag:s15], $0x4000  }
0x23: {  	p0 =	por !p0, !p0;
	s13 =	smov.u32 s17;
	[sflag:s15] =	ssyncset.done @!p1 $0x0  }
0x24: {  	s12 =	smov.u32 s16;
	[sflag:s15] =	ssyncadd.s32 @!p1 $0xFFFFC000;
	s15 =	smov.u32 s3  }
.LBB1_1:
0x25: {  	p1 =	sge.u32 s13, s6  }
0x26: {  	s16 =	sshll.u32 @!p1 s12, $0xC  }
0x27: {  	s16 =	sand.u32 @!p1 $0xFFFF8000, s16  }
0x28: {  	s17 =	smov.u32 s12;
	p2 =	sgt.s32 @!p1 s12, $0x2690;
	s16 =	sor.u32 @!p1 s7, s16  }
0x29: {  	s18 =	sshra.s32 @!p1 s12, $0x1F;
	p2 =	por !p2, p1;
	s16 =	sshrl.u32 @!p1 s16, $0xC  }
0x2a: {  	s18 =	sand.u32 @!p1 s18, s12;
	s17 =	simm.s32 @p2 $0x2690;
	s19 =	smulhi.u32 @!p1 $0x68DB9, s16  }
0x2b: {  	s17 =	ssub.s32 @!p1 s17, s18  }
0x2c: {  	s17 =	sadd.s32 @!p1 $0xFFFFD970, s17;
	s18 =	smul.u32 @!p1 $0x2710, s19  }
0x2d: {  	s31 =	sadd.s32 $0xFFFFFFFF, s13;
	s20 =	sshll.u32 @!p1 s17, $0x8;
	s19 =	sshll.u32 @!p1 s12, $0x7  }
0x2e: {  	s19 =	sand.u32 @!p1 $0x300, s19;
	s16 =	ssub.s32 @!p1 s16, s18;
	s18 =	ssub.s32 @!p1 $0x8000, s20  }
0x2f: {  	p2 =	sgt.s32 @!p1 s17, $0x7F;
	s19 =	sor.u32 @!p1 s9, s19;
	s18 =	sshrl.u32 @!p1 s18, $0x1  }
0x30: {  	p2 =	por !p2, p1;
	s17 =	sand.u32 @!p1 $0x3FFFFF80, s18;
	s18 =	sshrl.u32 @!p1 s19, $0x4  }
0x31: {  	s20 =	sxor.u32 @!p1 $0xFFFFFFFF, s13;
	s16 =	sshll.u32 @!p1 s16, $0x8;
	s18 =	sadd.s32 @!p1 s2, s18  }
0x32: {  	s19 =	simm.s32 @!p1 $0x400;
	s16 =	sadd.s32 @!p1 s16, s18;
	s18 =	sshll.u32 @!p1 s20, $0xE  }
0x33: {  	s17 =	simm.s32 @!p2 $0x0;
	s20 =	simm.s32 @!p1 $0x4000;
	s18 =	sand.u32 @!p1 $0x4000, s18  }
0x34: {  	[tilespmem:s18], [sflag:$0x1] =	stream.strided.gather @!p1 [hbm4b:s16+s19], s17, s20, s19, $0x38;
	[tilespmem:$0x10100] =	vst v63  }
0x35: {  	p1 =	sge.u32 s31, s6  }
.Ltmp2:
0x36: {  	_ = 	snop;
	(pc) =	sbr.rel @p1 .LBB1_5-.Ltmp2, $1  }
0x37: {  	_ =	sdelay $0x3  }
0x38: {  	p1 =	sgt.s32 s14, $0x2690;
	s16 =	smov.u32 s14;
	s17 =	sshra.s32 s14, $0x1F  }
0x39: {  	s16 =	simm.s32 @!p1 $0x2690;
	s17 =	sand.u32 s17, s14  }
0x3a: {  	s16 =	ssub.s32 s16, s17  }
0x3b: {  	s16 =	sadd.s32 $0xFFFFD970, s16  }
0x3c: {  	s28 =	sshll.u32 s16, $0x8  }
0x3d: {  	s17 =	ssub.s32 $0x8000, s28  }
0x3e: {  	s17 =	sshrl.u32 s17, $0x1  }
0x3f: {  	s20 =	simm.s32 $0x0;
	p1 =	sgt.s32 s16, $0x7F;
	s16 =	sand.u32 $0x3FFFFF80, s17  }
0x40: {  	s19 =	sand.u32 $0x1, s13;
	s29 =	sand.u32 $0x3C00, s20;
	s16 =	simm.s32 @p1 $0x0  }
0x41: {  	s20 =	sand.u32 $0x180, s20;
	s17 =	sshll.u32 s19, $0xE;
	_ =	swait.ge [sflag:s5], s16  }
0x42: {  	s18 =	ssub.s32 $0x0, s16;
	s16 =	sadd.s32 s29, s17;
	[sflag:s5] =	ssyncset.done $0x0  }
0x43: {  	s21 =	sadd.s32 s20, s16;
	[sflag:s5] =	ssyncadd.s32 s18  }
0x44: {  	v0 =	vld [tilespmem:s21+$0x260]  }
0x45: {  	v1 =	vld [tilespmem:s21+$0x270]  }
0x46: {  	v2 =	vld [tilespmem:s21+$0x0]  }
0x47: {  	v3 =	vld [tilespmem:s21+$0x10]  }
0x48: {  	v4 =	vld [tilespmem:s21+$0x20]  }
0x49: {  	s16 =	simm.s32 $0x1;
	v5 =	vld [tilespmem:s21+$0x30]  }
0x4a: {  	s16 =	simm.s32 @!p0 $0x0;
	v6 =	vld [tilespmem:s21+$0x40]  }
0x4b: {  	s16 =	smul.u32 $0x10200, s16;
	v7 =	vld [tilespmem:s21+$0x50];
	v1 =	vperm.xlane.i2c.b16 v1;
	v0 =	vperm.xlane.i2c.b16 v0  }
0x4c: {  	v8 =	vld [tilespmem:s21+$0x60];
	v2 =	vperm.xlane.i2c.b16 v2;
	v3 =	vperm.xlane.i2c.b16 v3  }
0x4d: {  	v10 =	vld [tilespmem:s21+$0x70];
	s16 =	sshrl.u32 s16, $0x2;
	v9 =	vcombine.low v0, v1;
	v0 =	vcombine.high v0, v1  }
0x4e: {  	s16 =	sor.u32 $0x8000, s16;
	v1 =	vperm.xlane.i2c.b16 v5;
	v5 =	vld [tilespmem:s21+$0x200];
	v11 =	vcombine.low v2, v3  }
0x4f: {  	v4 =	vperm.xlane.i2c.b16 v4;
	v2 =	vcombine.high v2, v3;
	v3 =	vld [tilespmem:s21+$0x210];
	[tilespmem:s16+$0x3870 ss:$0x81] =	vst.msk $0xffff, v9  }
0x50: {  	s30 =	simm.s32 $0x100;
	v6 =	vperm.xlane.i2c.b16 v6;
	v7 =	vperm.xlane.i2c.b16 v7;
	v9 =	vld [tilespmem:s21+$0x220];
	[tilespmem:s16+$0x0 ss:$0x81] =	vst.msk $0xffff, v11  }
0x51: {  	s20 =	simm.s32 $0x80;
	s18 =	sand.u32 $0x3C00, s30;
	[tilespmem:s16+$0x3871 ss:$0x81] =	vst.msk $0xffff, v0;
	v0 =	vcombine.low v4, v1;
	v1 =	vcombine.high v4, v1;
	v4 =	vld [tilespmem:s21+$0x230]  }
0x52: {  	s22 =	sand.u32 $0x180, s20;
	s18 =	sadd.s32 s18, s17;
	[tilespmem:s16+$0x1 ss:$0x81] =	vst.msk $0xffff, v2;
	v2 =	vperm.xlane.i2c.b16 v8;
	v8 =	vperm.xlane.i2c.b16 v10;
	v10 =	vld [tilespmem:s21+$0x240]  }
0x53: {  	s18 =	sadd.s32 s22, s18;
	[tilespmem:s16+$0x810 ss:$0x81] =	vst.msk $0xffff, v0;
	v0 =	vcombine.low v6, v7;
	v6 =	vcombine.high v6, v7;
	v7 =	vld [tilespmem:s21+$0x250]  }
0x54: {  	v11 =	vcombine.low v2, v8;
	[tilespmem:s16+$0x811 ss:$0x81] =	vst.msk $0xffff, v1;
	v1 =	vperm.xlane.i2c.b16 v5;
	v5 =	vld [tilespmem:s18+$0x260]  }
0x55: {  	v2 =	vcombine.high v2, v8;
	[tilespmem:s16+$0x1020 ss:$0x81] =	vst.msk $0xffff, v0;
	v0 =	vperm.xlane.i2c.b16 v3;
	v3 =	vld [tilespmem:s18+$0x270]  }
0x56: {  	v8 =	vld [tilespmem:s18+$0x0];
	[tilespmem:s16+$0x1021 ss:$0x81] =	vst.msk $0xffff, v6;
	v6 =	vperm.xlane.i2c.b16 v9;
	v4 =	vperm.xlane.i2c.b16 v4  }
0x57: {  	[tilespmem:s16+$0x1830 ss:$0x81] =	vst.msk $0xffff, v11;
	v11 =	vld [tilespmem:s18+$0x10];
	v9 =	vcombine.low v1, v0;
	v12 =	vcombine.high v1, v0  }
0x58: {  	[tilespmem:s16+$0x1831 ss:$0x81] =	vst.msk $0xffff, v2;
	v2 =	vld [tilespmem:s18+$0x20];
	v0 =	vperm.xlane.i2c.b16 v10;
	v10 =	vcombine.low v6, v4  }
0x59: {  	v1 =	vperm.xlane.i2c.b16 v7;
	v7 =	vld [tilespmem:s18+$0x30];
	v4 =	vcombine.high v6, v4;
	[tilespmem:s16+$0x2040 ss:$0x81] =	vst.msk $0xffff, v9  }
0x5a: {  	v9 =	vld [tilespmem:s18+$0x40];
	v5 =	vperm.xlane.i2c.b16 v5;
	[tilespmem:s16+$0x2041 ss:$0x81] =	vst.msk $0xffff, v12;
	v12 =	vperm.xlane.i2c.b16 v3  }
0x5b: {  	v14 =	vld [tilespmem:s18+$0x50];
	v13 =	vperm.xlane.i2c.b16 v8;
	[tilespmem:s16+$0x2850 ss:$0x81] =	vst.msk $0xffff, v10;
	v10 =	vcombine.low v0, v1  }
0x5c: {  	v6 =	vld [tilespmem:s18+$0x60];
	[tilespmem:s16+$0x2851 ss:$0x81] =	vst.msk $0xffff, v4;
	v4 =	vperm.xlane.i2c.b16 v11;
	v11 =	vcombine.low v5, v12  }
0x5d: {  	s31 =	smul.u32 $0x10200, s19;
	s19 =	sadd.s32 $0x2, s16;
	v3 =	vld [tilespmem:s18+$0x70];
	v8 =	vperm.xlane.i2c.b16 v2;
	v12 =	vcombine.high v5, v12;
	[tilespmem:s16+$0x3060 ss:$0x81] =	vst.msk $0xffff, v10  }
0x5e: {  	v5 =	vld [tilespmem:s18+$0x200];
	v15 =	vcombine.low v13, v4;
	v10 =	vperm.xlane.i2c.b16 v7;
	[tilespmem:s19+$0x3870 ss:$0x81] =	vst.msk $0xffff, v11  }
0x5f: {  	s21 =	sshrl.u32 s31, $0x2;
	v2 =	vld [tilespmem:s18+$0x210];
	v11 =	vcombine.high v13, v4;
	v7 =	vperm.xlane.i2c.b16 v9;
	[tilespmem:s19+$0x3871 ss:$0x81] =	vst.msk $0xffff, v12  }
0x60: {  	s23 =	simm.s32 $0x200;
	s22 =	simm.s32 $0x2;
	s21 =	sor.u32 $0x8000, s21;
	v9 =	vperm.xlane.i2c.b16 v14;
	v4 =	vld [tilespmem:s18+$0x220];
	[tilespmem:s19+$0x0 ss:$0x81] =	vst.msk $0xffff, v15;
	v12 =	vcombine.low v8, v10  }
.LBB1_3:
0x61: {  	s24 =	sand.u32 $0x3C00, s23;
	[tilespmem:s19+$0x1 ss:$0x81] =	vst.msk $0xffff, v11;
	v8 =	vcombine.high v8, v10;
	v6 =	vperm.xlane.i2c.b16 v6;
	v10 =	vld [tilespmem:s18+$0x230];
	s20 =	sadd.s32 $0x80, s20  }
0x62: {  	v11 =	vcombine.low v7, v9;
	v3 =	vperm.xlane.i2c.b16 v3;
	s25 =	sand.u32 $0x180, s20;
	s24 =	sadd.s32 s24, s17;
	[tilespmem:s19+$0x810 ss:$0x81] =	vst.msk $0xffff, v12;
	v12 =	vld [tilespmem:s18+$0x240]  }
0x63: {  	s22 =	sadd.s32 $0x2, s22;
	v7 =	vcombine.high v7, v9;
	v5 =	vperm.xlane.i2c.b16 v5;
	[tilespmem:s19+$0x811 ss:$0x81] =	vst.msk $0xffff, v8;
	v8 =	vld [tilespmem:s18+$0x250];
	s18 =	sadd.s32 s25, s24  }
0x64: {  	v2 =	vperm.xlane.i2c.b16 v2;
	p1 =	slt.u32 s22, $0x7E;
	v9 =	vld [tilespmem:s18+$0x260];
	[tilespmem:s19+$0x1020 ss:$0x81] =	vst.msk $0xffff, v11;
	v11 =	vcombine.low v6, v3  }
0x65: {  	v4 =	vperm.xlane.i2c.b16 v4;
	v3 =	vcombine.high v6, v3;
	v13 =	vld [tilespmem:s18+$0x270];
	[tilespmem:s19+$0x1021 ss:$0x81] =	vst.msk $0xffff, v7  }
0x66: {  	v7 =	vcombine.low v5, v2;
	v6 =	vld [tilespmem:s18+$0x0];
	[tilespmem:s19+$0x1830 ss:$0x81] =	vst.msk $0xffff, v11;
	v10 =	vperm.xlane.i2c.b16 v10  }
0x67: {  	v2 =	vcombine.high v5, v2;
	v11 =	vld [tilespmem:s18+$0x10];
	[tilespmem:s19+$0x1831 ss:$0x81] =	vst.msk $0xffff, v3;
	v3 =	vperm.xlane.i2c.b16 v12  }
0x68: {  	v5 =	vld [tilespmem:s18+$0x20];
	[tilespmem:s19+$0x2040 ss:$0x81] =	vst.msk $0xffff, v7;
	v7 =	vcombine.low v4, v10;
	v8 =	vperm.xlane.i2c.b16 v8  }
0x69: {  	v12 =	vld [tilespmem:s18+$0x30];
	[tilespmem:s19+$0x2041 ss:$0x81] =	vst.msk $0xffff, v2;
	v2 =	vcombine.high v4, v10;
	v4 =	vcombine.high v0, v1;
	v0 =	vmov v3  }
0x6a: {  	v9 =	vperm.xlane.i2c.b16 v9;
	v14 =	vld [tilespmem:s18+$0x40];
	v10 =	vperm.xlane.i2c.b16 v13;
	[tilespmem:s19+$0x2850 ss:$0x81] =	vst.msk $0xffff, v7;
	v1 =	vmov v8  }
0x6b: {  	v7 =	vperm.xlane.i2c.b16 v6;
	v13 =	vld [tilespmem:s18+$0x50];
	[tilespmem:s19+$0x2851 ss:$0x81] =	vst.msk $0xffff, v2;
	v2 =	vcombine.low v0, v1  }
.Ltmp3:
0x6c: {  	v11 =	vperm.xlane.i2c.b16 v11;
	v6 =	vld [tilespmem:s18+$0x60];
	v15 =	vcombine.low v9, v10;
	[tilespmem:s16+$0x3061 ss:$0x81] =	vst.msk $0xffff, v4;
	s16 =	smov.u32 s19;
	(pc) =	sbr.rel @p1 .LBB1_3-.Ltmp3, $4  }
0x6d: {  	v4 =	vcombine.high v9, v10;
	s19 =	sadd.s32 $0x2, s19;
	v8 =	vperm.xlane.i2c.b16 v5;
	v3 =	vld [tilespmem:s18+$0x70];
	[tilespmem:s16+$0x3060 ss:$0x81] =	vst.msk $0xffff, v2  }
0x6e: {  	v9 =	vcombine.low v7, v11;
	v10 =	vperm.xlane.i2c.b16 v12;
	v5 =	vld [tilespmem:s18+$0x200];
	[tilespmem:s19+$0x3870 ss:$0x81] =	vst.msk $0xffff, v15  }
0x6f: {  	v11 =	vcombine.high v7, v11;
	v7 =	vperm.xlane.i2c.b16 v14;
	v2 =	vld [tilespmem:s18+$0x210];
	[tilespmem:s19+$0x3871 ss:$0x81] =	vst.msk $0xffff, v4  }
0x70: {  	s23 =	sadd.s32 $0x100, s23;
	[tilespmem:s19+$0x0 ss:$0x81] =	vst.msk $0xffff, v9;
	v12 =	vcombine.low v8, v10;
	v9 =	vperm.xlane.i2c.b16 v13;
	v4 =	vld [tilespmem:s18+$0x220]  }
.Ltmp4:
0x71: {  	_ = 	snop;
	(pc) =	sbr.rel .LBB1_4-.Ltmp4, $1  }
0x72: {  	_ =	sdelay $0x3  }
.LBB1_6:
0x73: {  	_ =	sfence.sel $0x180000  }
0x74: {  	s2 =	simm.s32 $0x1;
	[bflag:$0x0] =	sbarrier.arrive $0xFFFF  }
0x75: {  	s31 =	simm.s32 $0x2;
	[sflag:s2] =	ssyncpa.u1 $0x1  }
0x76: {  	[sflag:s31] =	ssyncpa.u1 $0x1  }
0x77: {  	p0 =	sne.s32 s0, $0x0;
	_ =	strace $0x90000047  }
0x78: {  	s0 =	sadd.s32 @!p0 $0x100000, s1;
	[bflag:$0x2] =	sbarrier.arrive $0xFFFF  }
0x79: {  	[sflag:s0] =	ssyncadd.tile.s32 @!p0 $0x1;
	_ =	shalt  }
.Lfunc_end1:
_tile_overlayer_lowered:
.L_overlay_start_2:
0x7a: {  	(tag) =	ssettag $0x2  }
0x7b: {  	s0 =	rddreg [dreg:$0x0];
	s2 =	stileid.u32  }
0x7c: {  	s1 =	rddreg [dreg:$0x1];
	p0 =	sne.s32 s2, $0x0  }
0x7d: {  	s3 =	rddreg [dreg:$0x2];
	[bflag:$0x3] =	sbarrier.arrive $0xFFFF;
	s2 =	simm.s32 @!p0 $0x1C01  }
0x7e: {  	[timem:s3], [sflag:s2] =	dma.local @!p0 [hbm:s0], s1  }
0x7f: {  	s0 =	simm.s32 @!p0 $0x1  }
0x80: {  	_ =	swait.ge @!p0 [sflag:s0], s1  }
0x81: {  	s1 =	ssub.s32 @!p0 $0x0, s1;
	[sflag:s0] =	ssyncset.done @!p0 $0x0  }
0x82: {  	[sflag:s0] =	ssyncadd.s32 @!p0 s1  }
0x83: {  	[bflag:$0x3] =	sbarrier.arrive $0xFFFF  }
0x84: {  	_ =	shalt  }

</sc_bundles>
